<compile_context>
chip_gen: v7x
topology: tpu7x:2x2x1
jax: 0.10.2.dev20260603
libtpu: 0.0.44.dev20260713+nightly
codegen_flags: <defaults>
</compile_context>

<pallas_src>
import jax
import jax.numpy as jnp
from jax import lax
from jax.experimental import pallas as pl
from jax.experimental.pallas import tpu as pltpu
from jax.experimental.pallas import tpu_sc as plsc

_K = 65536
_NUM_BANDS = 3
_LANES = 16
_NUM_CORES = 1
_NUM_SUBCORES = 16
_NUM_WORKERS = _NUM_CORES * _NUM_SUBCORES
_CHUNK = _K // _NUM_WORKERS


def _sc_body(e_hbm, bb_hbm, w_hbm, out_hbm, e_v, w_v, o_v, bb_v, mm_v, sem,
             sem_small):
    wid = lax.axis_index("s") * _NUM_CORES + lax.axis_index("c")
    base = wid * _CHUNK

    cp_e = pltpu.async_copy(e_hbm.at[pl.ds(base, _CHUNK)], e_v, sem)
    cp_w = [
        pltpu.async_copy(w_hbm.at[pl.ds(i, 1), pl.ds(base, _CHUNK)],
                         w_v.at[pl.ds(i, 1), :], sem)
        for i in range(_NUM_BANDS)
    ]
    cp_s = [
        pltpu.async_copy(e_hbm.at[pl.ds(_K - 8, 8)], mm_v.at[pl.ds(0, 8)],
                         sem_small),
        pltpu.async_copy(e_hbm.at[pl.ds(0, 8)], mm_v.at[pl.ds(8, 8)],
                         sem_small),
        pltpu.async_copy(bb_hbm, bb_v.at[pl.ds(8, _NUM_BANDS + 1)],
                         sem_small),
    ]
    for cp in cp_s:
        cp.wait()

    def _splat(ref, i):
        return plsc.load_gather(ref, [jnp.full((_LANES,), i, jnp.int32)])

    lam_min = _splat(mm_v, 8)
    lam_max = _splat(mm_v, 7)
    denom = lam_max - lam_min + 1e-8
    t0 = lam_min + _splat(bb_v, 8) * denom
    t1 = lam_min + _splat(bb_v, 9) * denom
    t2 = lam_min + _splat(bb_v, 10) * denom
    t3 = lam_min + _splat(bb_v, 11) * denom
    zero = jnp.zeros((_LANES,), jnp.float32)

    cp_e.wait()
    for cp in cp_w:
        cp.wait()

    w0_r = w_v.at[0]
    w1_r = w_v.at[1]
    w2_r = w_v.at[2]

    @plsc.parallel_loop(0, _CHUNK, _LANES, unroll=8)
    def _loop(off):
        ev = e_v[pl.ds(off, _LANES)]
        resp = jnp.where(ev >= t1, w1_r[pl.ds(off, _LANES)],
                         w0_r[pl.ds(off, _LANES)])
        resp = jnp.where(ev >= t2, w2_r[pl.ds(off, _LANES)], resp)
        resp = jnp.where((ev >= t0) & (ev < t3), resp, zero)
        o_v[pl.ds(off, _LANES)] = resp

    pltpu.sync_copy(o_v, out_hbm.at[pl.ds(base, _CHUNK)])


@jax.jit
def _spectral_filter_sc(eigenvalues, band_boundaries, filter_weights):
    mesh = plsc.VectorSubcoreMesh(core_axis_name="c", subcore_axis_name="s", num_cores=1)
    run = pl.kernel(
        _sc_body,
        out_type=jax.ShapeDtypeStruct((_K,), jnp.float32),
        mesh=mesh,
        compiler_params=pltpu.CompilerParams(needs_layout_passes=False,
                                             use_tc_tiling_on_sc=False),
        scratch_types=[
            pltpu.VMEM((_CHUNK,), jnp.float32),
            pltpu.VMEM((_NUM_BANDS, _CHUNK), jnp.float32),
            pltpu.VMEM((_CHUNK,), jnp.float32),
            pltpu.VMEM((_LANES,), jnp.float32),
            pltpu.VMEM((_LANES,), jnp.float32),
            pltpu.SemaphoreType.DMA,
            pltpu.SemaphoreType.DMA,
        ],
    )
    return run(eigenvalues, band_boundaries, filter_weights)


def kernel(eigenvalues, band_boundaries, filter_weights):
    return _spectral_filter_sc(eigenvalues, band_boundaries, filter_weights)

# --- scband reference (transcript-rebuilt; emitter-appended) ---
"""Pipeline reference for scband-spectral-filter-7679401525510 (READ-ONLY COPY).

The authoritative reference and input builder live on the scoring server;
editing this copy changes nothing except your own understanding.
"""

import jax, jax.numpy as jnp
import numpy as np

K = 65536
NUM_BANDS = 3

def setup_inputs(seed: int = 0) -> dict:
    key = jax.random.key(seed)
    k1, k2 = jax.random.split(key)
    # Sorted eigenvalues in [0, 2] (Laplacian-like spectrum); docstring says sorted.
    eigenvalues = jnp.sort(jax.random.uniform(k1, (K,), dtype=jnp.float32) * 2.0)
    # Learned parameters, initialized exactly as in the torch module __init__.
    band_boundaries = jnp.linspace(0.0, 1.0, NUM_BANDS + 1, dtype=jnp.float32)
    filter_weights = jnp.ones((NUM_BANDS, K), dtype=jnp.float32)
    return {
        "eigenvalues": eigenvalues,
        "band_boundaries": band_boundaries,
        "filter_weights": filter_weights,
    }

def reference(eigenvalues, band_boundaries, filter_weights):
    lam_min = jnp.min(eigenvalues)
    lam_max = jnp.max(eigenvalues)
    lambda_norm = (eigenvalues - lam_min) / (lam_max - lam_min + 1e-08)
    response = jnp.zeros_like(eigenvalues)
    for i in range(NUM_BANDS):
        lower = band_boundaries[i]
        upper = band_boundaries[i + 1]
        mask = (lambda_norm >= lower) & (lambda_norm < upper)
        # torch: response[mask] = filter_weights[i, mask]
        response = jnp.where(mask, filter_weights[i], response)
    return response

if __name__ == "__main__":
    import jax
    _d = setup_inputs()
    print(jax.jit(kernel)(*tuple(_d.values())))

</pallas_src>

<mosaic_0001>
#map = affine_map<(d0, d1) -> (0)>
#map1 = affine_map<(d0, d1) -> (0, 0)>
module attributes {stable_mosaic.version = 14 : i64} {
  func.func @_sc_body(%arg0: i32, %arg1: i32, %arg2: memref<65536xf32, #tpu.memory_space<hbm>>, %arg3: memref<4xf32, #tpu.memory_space<hbm>>, %arg4: memref<3x65536xf32, #tpu.memory_space<hbm>>, %arg5: memref<65536xf32, #tpu.memory_space<hbm>>, %arg6: memref<4096xf32, #tpu.memory_space<vmem>>, %arg7: memref<3x4096xf32, #tpu.memory_space<vmem>>, %arg8: memref<4096xf32, #tpu.memory_space<vmem>>, %arg9: memref<16xf32, #tpu.memory_space<vmem>>, %arg10: memref<16xf32, #tpu.memory_space<vmem>>, %arg11: memref<!tpu.dma_semaphore, #tpu.memory_space<semaphore_mem>>, %arg12: memref<!tpu.dma_semaphore, #tpu.memory_space<semaphore_mem>>) attributes {dimension_semantics = [#tpu.dimension_semantics<core_parallel>, #tpu.dimension_semantics<subcore_parallel>], iteration_bounds = array<i64: 1, 16>, scalar_prefetch = 0 : i64, scratch_operands = 7 : i64, tpu.core_type = #tpu.core_type<sc_vector_subcore>, window_params = [{transform_indices = #map}, {transform_indices = #map}, {transform_indices = #map1}, {transform_indices = #map}]} {
    %mul3A = arith.constant 1 : i32
    %mul3A_0 = arith.muli %arg1, %mul3A : i32
    %add3A = arith.addi %mul3A_0, %arg0 : i32
    %mul3A_1 = arith.constant 4096 : i32
    %mul3A_2 = arith.muli %add3A, %mul3A_1 : i32
    %dma_start3A = tpu.memref_slice %arg2[%mul3A_2] : memref<65536xf32, #tpu.memory_space<hbm>> -> memref<4096xf32, #tpu.memory_space<hbm>>
    %dma_start3A_3 = tpu.memref_slice %arg2[%mul3A_2] : memref<65536xf32, #tpu.memory_space<hbm>> -> memref<4096xf32, #tpu.memory_space<hbm>>
    tpu.enqueue_dma source(%dma_start3A_3 : memref<4096xf32, #tpu.memory_space<hbm>>) target(%arg6 : memref<4096xf32, #tpu.memory_space<vmem>>) target_semaphore(%arg11 : memref<!tpu.dma_semaphore, #tpu.memory_space<semaphore_mem>>)
    %dma_start3A_4 = arith.constant 0 : i32
    %dma_start3A_5 = arith.constant 0 : i32
    %dma_start3A_6 = tpu.memref_slice %arg7[%dma_start3A_4, %dma_start3A_5] : memref<3x4096xf32, #tpu.memory_space<vmem>> -> memref<1x4096xf32, #tpu.memory_space<vmem>>
    %dma_start3A_7 = arith.constant 0 : i32
    %dma_start3A_8 = tpu.memref_slice %arg4[%dma_start3A_7, %mul3A_2] : memref<3x65536xf32, #tpu.memory_space<hbm>> -> memref<1x4096xf32, #tpu.memory_space<hbm>>
    %dma_start3A_9 = arith.constant 0 : i32
    %dma_start3A_10 = arith.constant 0 : i32
    %dma_start3A_11 = tpu.memref_slice %arg7[%dma_start3A_9, %dma_start3A_10] : memref<3x4096xf32, #tpu.memory_space<vmem>> -> memref<1x4096xf32, #tpu.memory_space<vmem>>
    %dma_start3A_12 = arith.constant 0 : i32
    %dma_start3A_13 = tpu.memref_slice %arg4[%dma_start3A_12, %mul3A_2] : memref<3x65536xf32, #tpu.memory_space<hbm>> -> memref<1x4096xf32, #tpu.memory_space<hbm>>
    tpu.enqueue_dma source(%dma_start3A_13 : memref<1x4096xf32, #tpu.memory_space<hbm>>) target(%dma_start3A_11 : memref<1x4096xf32, #tpu.memory_space<vmem>>) target_semaphore(%arg11 : memref<!tpu.dma_semaphore, #tpu.memory_space<semaphore_mem>>)
    %dma_start3A_14 = arith.constant 1 : i32
    %dma_start3A_15 = arith.constant 0 : i32
    %dma_start3A_16 = tpu.memref_slice %arg7[%dma_start3A_14, %dma_start3A_15] : memref<3x4096xf32, #tpu.memory_space<vmem>> -> memref<1x4096xf32, #tpu.memory_space<vmem>>
    %dma_start3A_17 = arith.constant 1 : i32
    %dma_start3A_18 = tpu.memref_slice %arg4[%dma_start3A_17, %mul3A_2] : memref<3x65536xf32, #tpu.memory_space<hbm>> -> memref<1x4096xf32, #tpu.memory_space<hbm>>
    %dma_start3A_19 = arith.constant 1 : i32
    %dma_start3A_20 = arith.constant 0 : i32
    %dma_start3A_21 = tpu.memref_slice %arg7[%dma_start3A_19, %dma_start3A_20] : memref<3x4096xf32, #tpu.memory_space<vmem>> -> memref<1x4096xf32, #tpu.memory_space<vmem>>
    %dma_start3A_22 = arith.constant 1 : i32
    %dma_start3A_23 = tpu.memref_slice %arg4[%dma_start3A_22, %mul3A_2] : memref<3x65536xf32, #tpu.memory_space<hbm>> -> memref<1x4096xf32, #tpu.memory_space<hbm>>
    tpu.enqueue_dma source(%dma_start3A_23 : memref<1x4096xf32, #tpu.memory_space<hbm>>) target(%dma_start3A_21 : memref<1x4096xf32, #tpu.memory_space<vmem>>) target_semaphore(%arg11 : memref<!tpu.dma_semaphore, #tpu.memory_space<semaphore_mem>>)
    %dma_start3A_24 = arith.constant 2 : i32
    %dma_start3A_25 = arith.constant 0 : i32
    %dma_start3A_26 = tpu.memref_slice %arg7[%dma_start3A_24, %dma_start3A_25] : memref<3x4096xf32, #tpu.memory_space<vmem>> -> memref<1x4096xf32, #tpu.memory_space<vmem>>
    %dma_start3A_27 = arith.constant 2 : i32
    %dma_start3A_28 = tpu.memref_slice %arg4[%dma_start3A_27, %mul3A_2] : memref<3x65536xf32, #tpu.memory_space<hbm>> -> memref<1x4096xf32, #tpu.memory_space<hbm>>
    %dma_start3A_29 = arith.constant 2 : i32
    %dma_start3A_30 = arith.constant 0 : i32
    %dma_start3A_31 = tpu.memref_slice %arg7[%dma_start3A_29, %dma_start3A_30] : memref<3x4096xf32, #tpu.memory_space<vmem>> -> memref<1x4096xf32, #tpu.memory_space<vmem>>
    %dma_start3A_32 = arith.constant 2 : i32
    %dma_start3A_33 = tpu.memref_slice %arg4[%dma_start3A_32, %mul3A_2] : memref<3x65536xf32, #tpu.memory_space<hbm>> -> memref<1x4096xf32, #tpu.memory_space<hbm>>
    tpu.enqueue_dma source(%dma_start3A_33 : memref<1x4096xf32, #tpu.memory_space<hbm>>) target(%dma_start3A_31 : memref<1x4096xf32, #tpu.memory_space<vmem>>) target_semaphore(%arg11 : memref<!tpu.dma_semaphore, #tpu.memory_space<semaphore_mem>>)
    %dma_start3A_34 = arith.constant 0 : i32
    %dma_start3A_35 = tpu.memref_slice %arg10[%dma_start3A_34] : memref<16xf32, #tpu.memory_space<vmem>> -> memref<8xf32, #tpu.memory_space<vmem>>
    %dma_start3A_36 = arith.constant 65528 : i32
    %dma_start3A_37 = tpu.memref_slice %arg2[%dma_start3A_36] : memref<65536xf32, #tpu.memory_space<hbm>> -> memref<8xf32, #tpu.memory_space<hbm>>
    %dma_start3A_38 = arith.constant 0 : i32
    %dma_start3A_39 = tpu.memref_slice %arg10[%dma_start3A_38] : memref<16xf32, #tpu.memory_space<vmem>> -> memref<8xf32, #tpu.memory_space<vmem>>
    %dma_start3A_40 = arith.constant 65528 : i32
    %dma_start3A_41 = tpu.memref_slice %arg2[%dma_start3A_40] : memref<65536xf32, #tpu.memory_space<hbm>> -> memref<8xf32, #tpu.memory_space<hbm>>
    tpu.enqueue_dma source(%dma_start3A_41 : memref<8xf32, #tpu.memory_space<hbm>>) target(%dma_start3A_39 : memref<8xf32, #tpu.memory_space<vmem>>) target_semaphore(%arg12 : memref<!tpu.dma_semaphore, #tpu.memory_space<semaphore_mem>>)
    %dma_start3A_42 = arith.constant 8 : i32
    %dma_start3A_43 = tpu.memref_slice %arg10[%dma_start3A_42] : memref<16xf32, #tpu.memory_space<vmem>> -> memref<8xf32, #tpu.memory_space<vmem>>
    %dma_start3A_44 = arith.constant 0 : i32
    %dma_start3A_45 = tpu.memref_slice %arg2[%dma_start3A_44] : memref<65536xf32, #tpu.memory_space<hbm>> -> memref<8xf32, #tpu.memory_space<hbm>>
    %dma_start3A_46 = arith.constant 8 : i32
    %dma_start3A_47 = tpu.memref_slice %arg10[%dma_start3A_46] : memref<16xf32, #tpu.memory_space<vmem>> -> memref<8xf32, #tpu.memory_space<vmem>>
    %dma_start3A_48 = arith.constant 0 : i32
    %dma_start3A_49 = tpu.memref_slice %arg2[%dma_start3A_48] : memref<65536xf32, #tpu.memory_space<hbm>> -> memref<8xf32, #tpu.memory_space<hbm>>
    tpu.enqueue_dma source(%dma_start3A_49 : memref<8xf32, #tpu.memory_space<hbm>>) target(%dma_start3A_47 : memref<8xf32, #tpu.memory_space<vmem>>) target_semaphore(%arg12 : memref<!tpu.dma_semaphore, #tpu.memory_space<semaphore_mem>>)
    %dma_start3A_50 = arith.constant 8 : i32
    %dma_start3A_51 = tpu.memref_slice %arg9[%dma_start3A_50] : memref<16xf32, #tpu.memory_space<vmem>> -> memref<4xf32, #tpu.memory_space<vmem>>
    %dma_start3A_52 = arith.constant 8 : i32
    %dma_start3A_53 = tpu.memref_slice %arg9[%dma_start3A_52] : memref<16xf32, #tpu.memory_space<vmem>> -> memref<4xf32, #tpu.memory_space<vmem>>
    tpu.enqueue_dma source(%arg3 : memref<4xf32, #tpu.memory_space<hbm>>) target(%dma_start3A_53 : memref<4xf32, #tpu.memory_space<vmem>>) target_semaphore(%arg12 : memref<!tpu.dma_semaphore, #tpu.memory_space<semaphore_mem>>)
    %dma_wait3A = arith.constant 0 : i32
    %dma_wait3A_54 = tpu.memref_slice %arg10[%dma_wait3A] : memref<16xf32, #tpu.memory_space<vmem>> -> memref<8xf32, #tpu.memory_space<vmem>>
    %dma_wait3A_55 = arith.constant 65528 : i32
    %dma_wait3A_56 = tpu.memref_slice %arg2[%dma_wait3A_55] : memref<65536xf32, #tpu.memory_space<hbm>> -> memref<8xf32, #tpu.memory_space<hbm>>
    %dma_wait3A_57 = arith.constant 0 : i32
    %dma_wait3A_58 = tpu.memref_slice %arg10[%dma_wait3A_57] : memref<16xf32, #tpu.memory_space<vmem>> -> memref<8xf32, #tpu.memory_space<vmem>>
    %dma_wait3A_59 = arith.constant 65528 : i32
    %dma_wait3A_60 = tpu.memref_slice %arg2[%dma_wait3A_59] : memref<65536xf32, #tpu.memory_space<hbm>> -> memref<8xf32, #tpu.memory_space<hbm>>
    tpu.wait_dma2 semaphore(%arg12 : memref<!tpu.dma_semaphore, #tpu.memory_space<semaphore_mem>>) src(%dma_wait3A_60 : memref<8xf32, #tpu.memory_space<hbm>>) dst(%dma_wait3A_58 : memref<8xf32, #tpu.memory_space<vmem>>)
    %dma_wait3A_61 = arith.constant 8 : i32
    %dma_wait3A_62 = tpu.memref_slice %arg10[%dma_wait3A_61] : memref<16xf32, #tpu.memory_space<vmem>> -> memref<8xf32, #tpu.memory_space<vmem>>
    %dma_wait3A_63 = arith.constant 0 : i32
    %dma_wait3A_64 = tpu.memref_slice %arg2[%dma_wait3A_63] : memref<65536xf32, #tpu.memory_space<hbm>> -> memref<8xf32, #tpu.memory_space<hbm>>
    %dma_wait3A_65 = arith.constant 8 : i32
    %dma_wait3A_66 = tpu.memref_slice %arg10[%dma_wait3A_65] : memref<16xf32, #tpu.memory_space<vmem>> -> memref<8xf32, #tpu.memory_space<vmem>>
    %dma_wait3A_67 = arith.constant 0 : i32
    %dma_wait3A_68 = tpu.memref_slice %arg2[%dma_wait3A_67] : memref<65536xf32, #tpu.memory_space<hbm>> -> memref<8xf32, #tpu.memory_space<hbm>>
    tpu.wait_dma2 semaphore(%arg12 : memref<!tpu.dma_semaphore, #tpu.memory_space<semaphore_mem>>) src(%dma_wait3A_68 : memref<8xf32, #tpu.memory_space<hbm>>) dst(%dma_wait3A_66 : memref<8xf32, #tpu.memory_space<vmem>>)
    %dma_wait3A_69 = arith.constant 8 : i32
    %dma_wait3A_70 = tpu.memref_slice %arg9[%dma_wait3A_69] : memref<16xf32, #tpu.memory_space<vmem>> -> memref<4xf32, #tpu.memory_space<vmem>>
    %dma_wait3A_71 = arith.constant 8 : i32
    %dma_wait3A_72 = tpu.memref_slice %arg9[%dma_wait3A_71] : memref<16xf32, #tpu.memory_space<vmem>> -> memref<4xf32, #tpu.memory_space<vmem>>
    tpu.wait_dma2 semaphore(%arg12 : memref<!tpu.dma_semaphore, #tpu.memory_space<semaphore_mem>>) src(%arg3 : memref<4xf32, #tpu.memory_space<hbm>>) dst(%dma_wait3A_72 : memref<4xf32, #tpu.memory_space<vmem>>)
    %broadcast_in_dim3A = arith.constant 8 : i32
    %broadcast_in_dim3A_73 = vector.broadcast %broadcast_in_dim3A : i32 to vector<16xi32>
    %gather3A = tpu.vector_load_idx %arg10[%broadcast_in_dim3A_73] : memref<16xf32, #tpu.memory_space<vmem>>[vector<16xi32>], vector<16xf32>,
    %broadcast_in_dim3A_74 = arith.constant 7 : i32
    %broadcast_in_dim3A_75 = vector.broadcast %broadcast_in_dim3A_74 : i32 to vector<16xi32>
    %gather3A_76 = tpu.vector_load_idx %arg10[%broadcast_in_dim3A_75] : memref<16xf32, #tpu.memory_space<vmem>>[vector<16xi32>], vector<16xf32>,
    %sub3A = arith.subf %gather3A_76, %gather3A : vector<16xf32>
    %add3A_77 = arith.constant 9.99999993E-9 : f32
    %add3A_78 = vector.broadcast %add3A_77 : f32 to vector<16xf32>
    %add3A_79 = arith.addf %sub3A, %add3A_78 : vector<16xf32>
    %broadcast_in_dim3A_80 = arith.constant 8 : i32
    %broadcast_in_dim3A_81 = vector.broadcast %broadcast_in_dim3A_80 : i32 to vector<16xi32>
    %gather3A_82 = tpu.vector_load_idx %arg9[%broadcast_in_dim3A_81] : memref<16xf32, #tpu.memory_space<vmem>>[vector<16xi32>], vector<16xf32>,
    %mul3A_83 = arith.mulf %gather3A_82, %add3A_79 : vector<16xf32>
    %add3A_84 = arith.addf %gather3A, %mul3A_83 : vector<16xf32>
    %broadcast_in_dim3A_85 = arith.constant 9 : i32
    %broadcast_in_dim3A_86 = vector.broadcast %broadcast_in_dim3A_85 : i32 to vector<16xi32>
    %gather3A_87 = tpu.vector_load_idx %arg9[%broadcast_in_dim3A_86] : memref<16xf32, #tpu.memory_space<vmem>>[vector<16xi32>], vector<16xf32>,
    %mul3A_88 = arith.mulf %gather3A_87, %add3A_79 : vector<16xf32>
    %add3A_89 = arith.addf %gather3A, %mul3A_88 : vector<16xf32>
    %broadcast_in_dim3A_90 = arith.constant 10 : i32
    %broadcast_in_dim3A_91 = vector.broadcast %broadcast_in_dim3A_90 : i32 to vector<16xi32>
    %gather3A_92 = tpu.vector_load_idx %arg9[%broadcast_in_dim3A_91] : memref<16xf32, #tpu.memory_space<vmem>>[vector<16xi32>], vector<16xf32>,
    %mul3A_93 = arith.mulf %gather3A_92, %add3A_79 : vector<16xf32>
    %add3A_94 = arith.addf %gather3A, %mul3A_93 : vector<16xf32>
    %broadcast_in_dim3A_95 = arith.constant 11 : i32
    %broadcast_in_dim3A_96 = vector.broadcast %broadcast_in_dim3A_95 : i32 to vector<16xi32>
    %gather3A_97 = tpu.vector_load_idx %arg9[%broadcast_in_dim3A_96] : memref<16xf32, #tpu.memory_space<vmem>>[vector<16xi32>], vector<16xf32>,
    %mul3A_98 = arith.mulf %gather3A_97, %add3A_79 : vector<16xf32>
    %add3A_99 = arith.addf %gather3A, %mul3A_98 : vector<16xf32>
    %broadcast_in_dim3A_100 = arith.constant 0.000000e+00 : f32
    %broadcast_in_dim3A_101 = vector.broadcast %broadcast_in_dim3A_100 : f32 to vector<16xf32>
    %dma_wait3A_102 = tpu.memref_slice %arg2[%mul3A_2] : memref<65536xf32, #tpu.memory_space<hbm>> -> memref<4096xf32, #tpu.memory_space<hbm>>
    %dma_wait3A_103 = tpu.memref_slice %arg2[%mul3A_2] : memref<65536xf32, #tpu.memory_space<hbm>> -> memref<4096xf32, #tpu.memory_space<hbm>>
    tpu.wait_dma2 semaphore(%arg11 : memref<!tpu.dma_semaphore, #tpu.memory_space<semaphore_mem>>) src(%dma_wait3A_103 : memref<4096xf32, #tpu.memory_space<hbm>>) dst(%arg6 : memref<4096xf32, #tpu.memory_space<vmem>>)
    %dma_wait3A_104 = arith.constant 0 : i32
    %dma_wait3A_105 = arith.constant 0 : i32
    %dma_wait3A_106 = tpu.memref_slice %arg7[%dma_wait3A_104, %dma_wait3A_105] : memref<3x4096xf32, #tpu.memory_space<vmem>> -> memref<1x4096xf32, #tpu.memory_space<vmem>>
    %dma_wait3A_107 = arith.constant 0 : i32
    %dma_wait3A_108 = tpu.memref_slice %arg4[%dma_wait3A_107, %mul3A_2] : memref<3x65536xf32, #tpu.memory_space<hbm>> -> memref<1x4096xf32, #tpu.memory_space<hbm>>
    %dma_wait3A_109 = arith.constant 0 : i32
    %dma_wait3A_110 = arith.constant 0 : i32
    %dma_wait3A_111 = tpu.memref_slice %arg7[%dma_wait3A_109, %dma_wait3A_110] : memref<3x4096xf32, #tpu.memory_space<vmem>> -> memref<1x4096xf32, #tpu.memory_space<vmem>>
    %dma_wait3A_112 = arith.constant 0 : i32
    %dma_wait3A_113 = tpu.memref_slice %arg4[%dma_wait3A_112, %mul3A_2] : memref<3x65536xf32, #tpu.memory_space<hbm>> -> memref<1x4096xf32, #tpu.memory_space<hbm>>
    tpu.wait_dma2 semaphore(%arg11 : memref<!tpu.dma_semaphore, #tpu.memory_space<semaphore_mem>>) src(%dma_wait3A_113 : memref<1x4096xf32, #tpu.memory_space<hbm>>) dst(%dma_wait3A_111 : memref<1x4096xf32, #tpu.memory_space<vmem>>)
    %dma_wait3A_114 = arith.constant 1 : i32
    %dma_wait3A_115 = arith.constant 0 : i32
    %dma_wait3A_116 = tpu.memref_slice %arg7[%dma_wait3A_114, %dma_wait3A_115] : memref<3x4096xf32, #tpu.memory_space<vmem>> -> memref<1x4096xf32, #tpu.memory_space<vmem>>
    %dma_wait3A_117 = arith.constant 1 : i32
    %dma_wait3A_118 = tpu.memref_slice %arg4[%dma_wait3A_117, %mul3A_2] : memref<3x65536xf32, #tpu.memory_space<hbm>> -> memref<1x4096xf32, #tpu.memory_space<hbm>>
    %dma_wait3A_119 = arith.constant 1 : i32
    %dma_wait3A_120 = arith.constant 0 : i32
    %dma_wait3A_121 = tpu.memref_slice %arg7[%dma_wait3A_119, %dma_wait3A_120] : memref<3x4096xf32, #tpu.memory_space<vmem>> -> memref<1x4096xf32, #tpu.memory_space<vmem>>
    %dma_wait3A_122 = arith.constant 1 : i32
    %dma_wait3A_123 = tpu.memref_slice %arg4[%dma_wait3A_122, %mul3A_2] : memref<3x65536xf32, #tpu.memory_space<hbm>> -> memref<1x4096xf32, #tpu.memory_space<hbm>>
    tpu.wait_dma2 semaphore(%arg11 : memref<!tpu.dma_semaphore, #tpu.memory_space<semaphore_mem>>) src(%dma_wait3A_123 : memref<1x4096xf32, #tpu.memory_space<hbm>>) dst(%dma_wait3A_121 : memref<1x4096xf32, #tpu.memory_space<vmem>>)
    %dma_wait3A_124 = arith.constant 2 : i32
    %dma_wait3A_125 = arith.constant 0 : i32
    %dma_wait3A_126 = tpu.memref_slice %arg7[%dma_wait3A_124, %dma_wait3A_125] : memref<3x4096xf32, #tpu.memory_space<vmem>> -> memref<1x4096xf32, #tpu.memory_space<vmem>>
    %dma_wait3A_127 = arith.constant 2 : i32
    %dma_wait3A_128 = tpu.memref_slice %arg4[%dma_wait3A_127, %mul3A_2] : memref<3x65536xf32, #tpu.memory_space<hbm>> -> memref<1x4096xf32, #tpu.memory_space<hbm>>
    %dma_wait3A_129 = arith.constant 2 : i32
    %dma_wait3A_130 = arith.constant 0 : i32
    %dma_wait3A_131 = tpu.memref_slice %arg7[%dma_wait3A_129, %dma_wait3A_130] : memref<3x4096xf32, #tpu.memory_space<vmem>> -> memref<1x4096xf32, #tpu.memory_space<vmem>>
    %dma_wait3A_132 = arith.constant 2 : i32
    %dma_wait3A_133 = tpu.memref_slice %arg4[%dma_wait3A_132, %mul3A_2] : memref<3x65536xf32, #tpu.memory_space<hbm>> -> memref<1x4096xf32, #tpu.memory_space<hbm>>
    tpu.wait_dma2 semaphore(%arg11 : memref<!tpu.dma_semaphore, #tpu.memory_space<semaphore_mem>>) src(%dma_wait3A_133 : memref<1x4096xf32, #tpu.memory_space<hbm>>) dst(%dma_wait3A_131 : memref<1x4096xf32, #tpu.memory_space<vmem>>)
    %parallel_loop3A = arith.constant 0 : i32
    %parallel_loop3A_134 = arith.constant 4096 : i32
    %parallel_loop3A_135 = arith.constant 16 : i32
    %parallel_loop3A_136 = arith.constant 1 : i32
    %parallel_loop3A_137 = arith.constant 0 : i32
    %parallel_loop3A_138 = arith.constant 2 : i32
    scf.for %parallel_loop3A_139 = %parallel_loop3A to %parallel_loop3A_134 step %parallel_loop3A_135  : i32 {
      %parallel_loop3A_140 = arith.index_cast %parallel_loop3A_139 : i32 to index
      %parallel_loop3A_141 = tpu.vector_load %arg6[%parallel_loop3A_140] {strides = array<i32>} : memref<4096xf32, #tpu.memory_space<vmem>>, vector<16xf32>,
      %parallel_loop3A_142 = arith.cmpf oge, %parallel_loop3A_141, %add3A_89 : vector<16xf32>
      %parallel_loop3A_143 = arith.constant 0 : i32
      %parallel_loop3A_144 = tpu.memref_slice %arg7[%parallel_loop3A_136, %parallel_loop3A_143] : memref<3x4096xf32, #tpu.memory_space<vmem>> -> memref<1x4096xf32, #tpu.memory_space<vmem>>
      %parallel_loop3A_145 = tpu.memref_squeeze %parallel_loop3A_144 : memref<1x4096xf32, #tpu.memory_space<vmem>> -> memref<4096xf32, #tpu.memory_space<vmem>>
      %parallel_loop3A_146 = arith.index_cast %parallel_loop3A_139 : i32 to index
      %parallel_loop3A_147 = tpu.vector_load %parallel_loop3A_145[%parallel_loop3A_146] {strides = array<i32>} : memref<4096xf32, #tpu.memory_space<vmem>>, vector<16xf32>,
      %parallel_loop3A_148 = arith.constant 0 : i32
      %parallel_loop3A_149 = tpu.memref_slice %arg7[%parallel_loop3A_137, %parallel_loop3A_148] : memref<3x4096xf32, #tpu.memory_space<vmem>> -> memref<1x4096xf32, #tpu.memory_space<vmem>>
      %parallel_loop3A_150 = tpu.memref_squeeze %parallel_loop3A_149 : memref<1x4096xf32, #tpu.memory_space<vmem>> -> memref<4096xf32, #tpu.memory_space<vmem>>
      %parallel_loop3A_151 = arith.index_cast %parallel_loop3A_139 : i32 to index
      %parallel_loop3A_152 = tpu.vector_load %parallel_loop3A_150[%parallel_loop3A_151] {strides = array<i32>} : memref<4096xf32, #tpu.memory_space<vmem>>, vector<16xf32>,
      %parallel_loop3A_153 = arith.select %parallel_loop3A_142, %parallel_loop3A_147, %parallel_loop3A_152 : vector<16xi1>, vector<16xf32>
      %parallel_loop3A_154 = arith.cmpf oge, %parallel_loop3A_141, %add3A_94 : vector<16xf32>
      %parallel_loop3A_155 = arith.constant 0 : i32
      %parallel_loop3A_156 = tpu.memref_slice %arg7[%parallel_loop3A_138, %parallel_loop3A_155] : memref<3x4096xf32, #tpu.memory_space<vmem>> -> memref<1x4096xf32, #tpu.memory_space<vmem>>
      %parallel_loop3A_157 = tpu.memref_squeeze %parallel_loop3A_156 : memref<1x4096xf32, #tpu.memory_space<vmem>> -> memref<4096xf32, #tpu.memory_space<vmem>>
      %parallel_loop3A_158 = arith.index_cast %parallel_loop3A_139 : i32 to index
      %parallel_loop3A_159 = tpu.vector_load %parallel_loop3A_157[%parallel_loop3A_158] {strides = array<i32>} : memref<4096xf32, #tpu.memory_space<vmem>>, vector<16xf32>,
      %parallel_loop3A_160 = arith.select %parallel_loop3A_154, %parallel_loop3A_159, %parallel_loop3A_153 : vector<16xi1>, vector<16xf32>
      %parallel_loop3A_161 = arith.cmpf oge, %parallel_loop3A_141, %add3A_84 : vector<16xf32>
      %parallel_loop3A_162 = arith.cmpf olt, %parallel_loop3A_141, %add3A_99 : vector<16xf32>
      %parallel_loop3A_163 = arith.andi %parallel_loop3A_161, %parallel_loop3A_162 : vector<16xi1>
      %parallel_loop3A_164 = arith.select %parallel_loop3A_163, %parallel_loop3A_160, %broadcast_in_dim3A_101 : vector<16xi1>, vector<16xf32>
      %parallel_loop3A_165 = arith.index_cast %parallel_loop3A_139 : i32 to index
      %parallel_loop3A_166 = tpu.vector_load %arg8[%parallel_loop3A_165] {strides = array<i32>} : memref<4096xf32, #tpu.memory_space<vmem>>, vector<16xf32>,
      tpu.vector_store %arg8[%parallel_loop3A_165], %parallel_loop3A_164 {strides = array<i32>} : memref<4096xf32, #tpu.memory_space<vmem>>, vector<16xf32>,
    } {sc.loop_unroll_factor = 8 : i64, sc.parallel_access}
    "tpu.region"() ({
      %run_scoped3A = tpu.sem_alloc : memref<!tpu.dma_semaphore, #tpu.memory_space<semaphore_mem>>
      %dma_start3A_139 = tpu.memref_slice %arg5[%mul3A_2] : memref<65536xf32, #tpu.memory_space<hbm>> -> memref<4096xf32, #tpu.memory_space<hbm>>
      %dma_start3A_140 = tpu.memref_slice %arg5[%mul3A_2] : memref<65536xf32, #tpu.memory_space<hbm>> -> memref<4096xf32, #tpu.memory_space<hbm>>
      tpu.enqueue_dma source(%arg8 : memref<4096xf32, #tpu.memory_space<vmem>>) target(%dma_start3A_140 : memref<4096xf32, #tpu.memory_space<hbm>>) target_semaphore(%run_scoped3A : memref<!tpu.dma_semaphore, #tpu.memory_space<semaphore_mem>>)
      %dma_wait3A_141 = tpu.memref_slice %arg5[%mul3A_2] : memref<65536xf32, #tpu.memory_space<hbm>> -> memref<4096xf32, #tpu.memory_space<hbm>>
      %dma_wait3A_142 = tpu.memref_slice %arg5[%mul3A_2] : memref<65536xf32, #tpu.memory_space<hbm>> -> memref<4096xf32, #tpu.memory_space<hbm>>
      tpu.wait_dma2 semaphore(%run_scoped3A : memref<!tpu.dma_semaphore, #tpu.memory_space<semaphore_mem>>) src(%arg8 : memref<4096xf32, #tpu.memory_space<vmem>>) dst(%dma_wait3A_142 : memref<4096xf32, #tpu.memory_space<hbm>>)
      tpu.yield
    }) : () -> ()
    return
  }
}

</mosaic_0001>

<sc_bundles>
// kernel: _spectral_filter_sc.3.cloned.1.call-start
scs
__scs_entry_jumppad:
0x0: {  	(pc) =	sbr.rel $0x88, $3  }
0x1: {  	(tag) =	ssettag $0x0;
	lr =	simm.s32 $0x1  }
0x2: {  	[smem:$0x3F9E] =	sst lr;
	_ =	strace $0xD0000000  }
0x3: {  	_ = 	snop  }
0x4: {  	_ = 	snop  }
0x5: {  	_ = 	snop  }
0x6: {  	_ = 	snop  }
0x7: {  	_ = 	snop  }
__scs_overlays_trampoline_lowered:
0x8: {  	[smem:$0x3FAD] =	sst s0  }
0x9: {  	[smem:$0x3FAE] =	sst s1  }
0xa: {  	[smem:$0x3FAF] =	sst s2  }
0xb: {  	[smem:$0x3FB0] =	sst s3  }
0xc: {  	[smem:$0x3FB1] =	sst s4  }
0xd: {  	[smem:$0x3FB2] =	sst s5  }
0xe: {  	[smem:$0x3FB3] =	sst s6  }
0xf: {  	[smem:$0x3FB4] =	sst s7  }
0x10: {  	[smem:$0x3FB5] =	sst s8  }
0x11: {  	[smem:$0x3FB6] =	sst s9;
	s0 =	simm.s32 @!p0 $0x0  }
0x12: {  	s1 =	sld [smem:$0x3F9C];
	s0 =	simm.s32 @p0 $0x1  }
0x13: {  	[smem:$0x3FB7] =	sst s0;
	s0 =	simm.s32 @!p1 $0x0  }
0x14: {  	s2 =	sld [smem:$0x3F9B];
	s0 =	simm.s32 @p1 $0x1  }
0x15: {  	[smem:$0x3FB8] =	sst s0;
	s0 =	simm.s32 @!p2 $0x0  }
0x16: {  	s3 =	sld [smem:$0x3FDB];
	s0 =	simm.s32 @p2 $0x1  }
0x17: {  	s4 =	simm.s32 $0x1BF5;
	[smem:$0x3FBA] =	sst s0  }
0x18: {  	s0 =	sld [smem:$0x3F9D];
	_ =	swait.ge [sflag:s4], $0x0  }
0x19: {  	s7 =	sld [smem:$0x3F9E]  }
0x1a: {  	s8 =	sadd.s32 $0xFFFFE003, lr  }
0x1b: {  	s9 =	sadd.s32 $0xFFFFFEF7, lr;
	s5 =	simm.s32 $0xFFFFFFFF;
	p2 =	slt.u32 s8, $0xFFFFF086  }
0x1c: {  	p1 =	slt.u32 s9, $0xF7A;
	s5 =	simm.s32 @!p2 $0x0  }
0x1d: {  	s5 =	simm.s32 @p1 $0x1;
	p0 =	seq.s32 s7, s2  }
0x1e: {  	s7 =	smul.u32 @!p0 $0xF7A, s2;
	p2 =	seq.s32 @!p0 s5, $0x0  }
0x1f: {  	s9 =	smul.u32 $0xF7A, s1;
	s8 =	simm.s32 @!p0 $0x1BF5;
	p2 =	por !p2, p0  }
0x20: {  	[sflag:s8] =	ssyncset.s32 @!p0 $0xFFFFF086;
	s6 =	sadd.s32 @!p0 s3, s7;
	s7 =	simm.s32 @!p0 $0x108  }
0x21: {  	s3 =	sadd.s32 s3, s9;
	s6 =	sadd.s32 @!p0 $0x88, s6;
	s7 =	simm.s32 @p2 $0x1082  }
0x22: {  	[simem:s7], [sflag:s8] =	dma.local @!p0 [hbm:s6], $0xF7A  }
0x23: {  	s9 =	sor.u32 $0xD0000000, s2;
	s6 =	simm.s32 $0x108;
	_ =	swait.ge @!p0 [sflag:s8], $0x0  }
0x24: {  	s3 =	sadd.s32 $0x88, s3;
	s6 =	simm.s32 @!p1 $0x1082;
	[sflag:s4] =	ssyncset.s32 $0xFFFFF086  }
0x25: {  	[simem:s6], [sflag:s4] =	dma.local [hbm:s3], $0xF7A  }
0x26: {  	[smem:$0x3F9E] =	sst s1;
	(tag) =	ssettag s2;
	_ =	strace s9  }
0x27: {  	s1 =	sld [smem:$0x3FAE]  }
0x28: {  	s2 =	sld [smem:$0x3FAF]  }
0x29: {  	s4 =	sld [smem:$0x3FB1]  }
0x2a: {  	p0 =	seq.s32 s5, $0x0;
	s5 =	sld [smem:$0x3FB2]  }
0x2b: {  	s6 =	sld [smem:$0x3FB3]  }
0x2c: {  	s7 =	sld [smem:$0x3FB4]  }
0x2d: {  	s3 =	simm.s32 $0x108;
	s8 =	sld [smem:$0x3FB5]  }
0x2e: {  	s3 =	simm.s32 @!p0 $0x1082;
	s9 =	sld [smem:$0x3FB6]  }
0x2f: {  	lr =	sadd.s32 s0, s3;
	s0 =	sld [smem:$0x3FAD]  }
0x30: {  	s3 =	sld [smem:$0x3FB0]  }
0x31: {  	[smem:$0x3FB9] =	sst s10  }
0x32: {  	s10 =	sld [smem:$0x3FB7];
	_ =	sdelay $0x3  }
0x33: {  	p0 =	seq.s32 s10, $0x1;
	s10 =	sld [smem:$0x3FB9];
	_ =	sdelay $0x3  }
0x34: {  	[smem:$0x3FB9] =	sst s10  }
0x35: {  	s10 =	sld [smem:$0x3FB8];
	_ =	sdelay $0x3  }
0x36: {  	p1 =	seq.s32 s10, $0x1;
	s10 =	sld [smem:$0x3FB9];
	_ =	sdelay $0x3  }
0x37: {  	[smem:$0x3FB9] =	sst s10  }
0x38: {  	s10 =	sld [smem:$0x3FBA]  }
0x39: {  	_ = 	snop;
	(pc) =	sbr.ind lr, $3  }
0x3a: {  	_ = 	snop  }
0x3b: {  	_ = 	snop  }
0x3c: {  	p2 =	seq.s32 s10, $0x1;
	s10 =	sld [smem:$0x3FB9]  }
0x3d: {  	_ =	shalt  }
0x3e: {  	_ =	shalt  }
0x3f: {  	_ =	shalt  }
0x40: {  	_ =	shalt  }
0x41: {  	_ =	shalt  }
0x42: {  	_ =	shalt  }
0x43: {  	_ =	shalt  }
0x44: {  	_ =	shalt  }
0x45: {  	_ =	shalt  }
0x46: {  	_ =	shalt  }
0x47: {  	_ =	shalt  }
0x48: {  	_ =	shalt  }
0x49: {  	_ =	shalt  }
0x4a: {  	_ =	shalt  }
0x4b: {  	_ =	shalt  }
0x4c: {  	_ =	shalt  }
0x4d: {  	_ =	shalt  }
0x4e: {  	_ =	shalt  }
0x4f: {  	_ =	shalt  }
0x50: {  	_ =	shalt  }
0x51: {  	_ =	shalt  }
0x52: {  	_ =	shalt  }
0x53: {  	_ =	shalt  }
0x54: {  	_ =	shalt  }
0x55: {  	_ =	shalt  }
0x56: {  	_ =	shalt  }
0x57: {  	_ =	shalt  }
0x58: {  	_ =	shalt  }
0x59: {  	_ =	shalt  }
0x5a: {  	_ =	shalt  }
0x5b: {  	_ =	shalt  }
0x5c: {  	_ =	shalt  }
0x5d: {  	_ =	shalt  }
0x5e: {  	_ =	shalt  }
0x5f: {  	_ =	shalt  }
0x60: {  	_ =	shalt  }
0x61: {  	_ =	shalt  }
0x62: {  	_ =	shalt  }
0x63: {  	_ =	shalt  }
0x64: {  	_ =	shalt  }
0x65: {  	_ =	shalt  }
0x66: {  	_ =	shalt  }
0x67: {  	_ =	shalt  }
0x68: {  	_ =	shalt  }
0x69: {  	_ =	shalt  }
0x6a: {  	_ =	shalt  }
0x6b: {  	_ =	shalt  }
0x6c: {  	_ =	shalt  }
0x6d: {  	_ =	shalt  }
0x6e: {  	_ =	shalt  }
0x6f: {  	_ =	shalt  }
0x70: {  	_ =	shalt  }
0x71: {  	_ =	shalt  }
0x72: {  	_ =	shalt  }
0x73: {  	_ =	shalt  }
0x74: {  	_ =	shalt  }
0x75: {  	_ =	shalt  }
0x76: {  	_ =	shalt  }
0x77: {  	_ =	shalt  }
0x78: {  	_ =	shalt  }
0x79: {  	_ =	shalt  }
0x7a: {  	_ =	shalt  }
0x7b: {  	_ =	shalt  }
0x7c: {  	_ =	shalt  }
0x7d: {  	_ =	shalt  }
0x7e: {  	_ =	shalt  }
0x7f: {  	_ =	shalt  }
0x80: {  	_ =	shalt  }
0x81: {  	_ =	shalt  }
0x82: {  	_ =	shalt  }
0x83: {  	_ =	shalt  }
0x84: {  	_ =	shalt  }
0x85: {  	_ =	shalt  }
0x86: {  	_ =	shalt  }
0x87: {  	_ =	shalt  }
.Lfunc_end0:
.L_simem_size_0:
called_computation_lowered:
.L_overlay_start_0:
0x88: {  	s0 =	sld [smem:$0x3FD9]  }
0x89: {  	s1 =	sld [smem:$0x3FFE];
	_ =	sdelay $0x3  }
0x8a: {  	s0 =	sadd.s32 s1, s0  }
0x8b: {  	[smem:$0x3FC5] =	sst s0  }
0x8c: {  	_ = 	snop  }
0x8d: {  	s0 =	sld [smem:$0x3FC9]  }
0x8e: {  	s16 =	sld [smem:$0x3FC8]  }
0x8f: {  	s2 =	sld [smem:$0x3FD0];
	(tm) =	ssettm $0x1  }
0x90: {  	s3 =	sld [smem:$0x3FFB];
	_ =	sdelay $0x3  }
0x91: {  	_ =	strace s3  }
0x92: {  	s3 =	sld [smem:$0x3FFC];
	_ =	sdelay $0x3  }
0x93: {  	_ =	strace s3  }
0x94: {  	s3 =	sld [smem:$0x3FFD];
	_ =	sdelay $0x3  }
0x95: {  	_ =	strace s3  }
0x96: {  	_ =	strace $0x8FFFFFFF  }
0x97: {  	s17 =	sld [smem:$0x3FDB];
	_ =	sdelay $0x1  }
0x98: {  	s4 =	simm.s32 $_scs_section_size  }
0x99: {  	s5 =	simm.s32 $_size__tile_overlayer_lowered;
	s6 =	simm.s32 $_tile_overlayer_lowered  }
0x9a: {  	s20 =	simm.s32 $0x1BFF;
	s19 =	sshll.u32 s6, $0x1;
	s3 =	sadd.s32 s4, s17  }
0x9b: {  	s7 =	simm.s32 $0x0;
	s18 =	sshll.u32 s5, $0x1;
	s5 =	sadd.s32 s19, s3  }
0x9c: {  	[timem:s7], [sflag:s20] =	dma.local [hbm:s5], s18  }
0x9d: {  	_ =	swait.ge [sflag:s20], s18  }
0x9e: {  	s4 =	ssub.s32 $0x0, s18;
	[sflag:s20] =	ssyncset.done $0x0  }
0x9f: {  	[sflag:s20] =	ssyncadd.s32 s4;
	_ =	sdelay $0x1  }
0xa0: {  	s21 =	simm.s32 $0x1B8B  }
0xa1: {  	_ =	swait.ge [sflag:s21], $0x1  }
0xa2: {  	[sflag:s21] =	ssyncset.done $0x0  }
0xa3: {  	s23 =	simm.s32 $0x1B8E;
	s22 =	sld [smem:$0x3FFE];
	[sflag:s21] =	ssyncadd.s32 $0xFFFFFFFF  }
0xa4: {  	s24 =	simm.s32 $execute0_lowered;
	[smem:$0x3FD2] =	sst s23  }
0xa5: {  	s5 =	sshll.u32 s24, $0x1;
	_ =	strace $0x80000046;
	[dreg:$0x1] =	wrdreg $0xFFFFFFFF  }
0xa6: {  	s25 =	simm.s32 $_size_execute0_lowered;
	s3 =	sadd.s32 s3, s5;
	[dreg:$0x0] =	wrdreg $0x0  }
0xa7: {  	s5 =	sshll.u32 s25, $0x1;
	[dreg:$0x2] =	wrdreg s3  }
0xa8: {  	[dreg:$0x3] =	wrdreg s5  }
0xa9: {  	[dreg:$0x4] =	wrdreg $0xC0  }
0xaa: {  	_ =	task [dreg:s7], $0x5FFFF  }
0xab: {  	[dreg:$0x1] =	wrdreg $0xFFFFFFFF  }
0xac: {  	[dreg:$0x0] =	wrdreg $0x60  }
0xad: {  	[dreg:$0x2] =	wrdreg s0  }
0xae: {  	[dreg:$0x3] =	wrdreg s16  }
0xaf: {  	[dreg:$0x4] =	wrdreg s22  }
0xb0: {  	[dreg:$0x5] =	wrdreg s2  }
0xb1: {  	[dreg:$0x6] =	wrdreg $0x9  }
0xb2: {  	_ =	task.clear_ibuf [dreg:s7], $0x7FFFF;
	_ =	strace $0x90000046  }
0xb3: {  	s26 =	simm.s32 $0x9;
	_ =	strace $0x80000048  }
0xb4: {  	_ =	swait.ge [sflag:s26], $0x1  }
0xb5: {  	[sflag:s26] =	ssyncadd.s32 $0xFFFFFFFF  }
0xb6: {  	_ =	strace $0x90000048  }
0xb7: {  	_ =	sfence  }
0xb8: {  	s28 =	sld [smem:$0x0];
	_ =	sdelay $0x1  }
0xb9: {  	s29 =	srdreg.scid  }
0xba: {  	s30 =	sshll.u32 s29, $0xD;
	s31 =	sshrl.u32 s29, $0x2  }
0xbb: {  	s1 =	sand.u32 $0x1, s29;
	s2 =	sand.u32 $0x4000, s30;
	s0 =	sadd.s32 s31, s28  }
0xbc: {  	s1 =	sor.u32 s2, s1;
	s0 =	sshll.u32 s0, $0x11  }
0xbd: {  	s0 =	sor.u32 s0, s1  }
0xbe: {  	s0 =	sadd.s32 $0x8F2B, s0  }
0xbf: {  	[sflag:s0] =	ssyncadd.remote.s32 $0x1  }
0xc0: {  	_ =	sfence.sel $0xFFFF  }
0xc1: {  	[dreg:$0x0] =	wrdreg $0xFFFFFFFF;
	(pc) =	sbr.abs _section_cstart, $3  }
0xc2: {  	[dreg:$0x1] =	wrdreg $0xFFFFFFFF  }
0xc3: {  	_ =	task.clear_ibuf [dreg:s7], $0x2FFFF;
	_ =	strace $0x9FFFFFFF  }
0xc4: {  	(tm) =	ssettm $0x7FFFFFFF  }
0xc5: {  	_ =	shalt  }
tec
execute0_lowered:
.L_overlay_start_1:
0x0: {  	(tag) =	ssettag $0x1  }
0x1: {  	s4 =	rddreg [dreg:$0x0]  }
0x2: {  	s5 =	rddreg [dreg:$0x1]  }
0x3: {  	s6 =	rddreg [dreg:$0x2]  }
0x4: {  	s2 =	rddreg [dreg:$0x3]  }
0x5: {  	s0 =	rddreg [dreg:$0x4];
	s7 =	simm.s32 $0x0;
	s1 =	stileid.u32  }
0x6: {  	[smem:$0x7FF] =	sst s7;
	s3 =	sshll.u32 s1, $0x9  }
0x7: {  	_ =	strace $0x80000047;
	s6 =	sadd.s32 s3, s6;
	s8 =	sadd.s32 s4, s3  }
0x8: {  	[tilespmem:s7], [sflag:$0x1] =	stream.linear.gather [hbm4b:s8+s7], $0x1000, $0x38;
	[tilespmem:$0x5020] =	vst v63  }
0x9: {  	s9 =	simm.s32 $0x1000;
	s19 =	sadd.s32 $0x400, s6  }
0xa: {  	[tilespmem:s9], [sflag:$0x1] =	stream.linear.gather [hbm4b:s19+s7], $0x1000, $0x38;
	[tilespmem:$0x5020] =	vst v63  }
0xb: {  	s21 =	simm.s32 $0x2000;
	s20 =	sadd.s32 $0x2400, s6  }
0xc: {  	[tilespmem:s21], [sflag:$0x1] =	stream.linear.gather [hbm4b:s20+s7], $0x1000, $0x38;
	[tilespmem:$0x5020] =	vst v63  }
0xd: {  	s22 =	simm.s32 $0x3000;
	s6 =	sadd.s32 $0x4400, s6  }
0xe: {  	[tilespmem:s22], [sflag:$0x1] =	stream.linear.gather [hbm4b:s6+s7], $0x1000, $0x38;
	[tilespmem:$0x5020] =	vst v63  }
0xf: {  	s24 =	simm.s32 $0x5010;
	s23 =	sadd.s32 $0x1FFF, s4  }
0x10: {  	[tilespmem:s24], [sflag:$0x2] =	stream.linear.gather [hbm4b:s23+s7], $0x8, $0x38;
	[tilespmem:$0x5020] =	vst v63  }
0x11: {  	s25 =	simm.s32 $0x5018  }
0x12: {  	[tilespmem:s25], [sflag:$0x2] =	stream.linear.gather [hbm4b:s4+s7], $0x8, $0x38;
	[tilespmem:$0x5020] =	vst v63  }
0x13: {  	s26 =	simm.s32 $0x5008;
	s28 =	simm.s32 $0x2  }
0x14: {  	[tilespmem:s26], [sflag:$0x2] =	stream.linear.gather [hbm4b:s5+s7], $0x4, $0x38;
	[tilespmem:$0x5020] =	vst v63  }
0x15: {  	_ =	swait.ge [sflag:s28], $0x8  }
0x16: {  	[sflag:s28] =	ssyncset.done $0x0  }
0x17: {  	[sflag:s28] =	ssyncadd.s32 $0xFFFFFFF8  }
0x18: {  	_ =	swait.ge [sflag:s28], $0x8  }
0x19: {  	v0 =	vimm.s32 $0x8;
	[sflag:s28] =	ssyncset.done $0x0  }
0x1a: {  	v1 =	vimm.s32 $0x7;
	[sflag:s28] =	ssyncadd.s32 $0xFFFFFFF8  }
0x1b: {  	_ =	swait.ge [sflag:s28], $0x4  }
0x1c: {  	v2 =	vimm.s32 $0x9;
	[sflag:s28] =	ssyncset.done $0x0  }
0x1d: {  	v3 =	vimm.s32 $0xA;
	[sflag:s28] =	ssyncadd.s32 $0xFFFFFFFC  }
0x1e: {  	v5 =	vimm.s32 $0xB;
	v4 =	vld.idx.msk [tilespmem:v0+s24+$0x0], $0xffff  }
0x1f: {  	s29 =	simm.s32 $0x5000;
	v1 =	vld.idx.msk [tilespmem:v1+s24+$0x0], $0xffff  }
0x20: {  	v0 =	vld.idx.msk [tilespmem:v0+s29+$0x0], $0xffff  }
0x21: {  	v2 =	vld.idx.msk [tilespmem:v2+s29+$0x0], $0xffff  }
0x22: {  	s30 =	simm.s32 $0x1;
	v3 =	vld.idx.msk [tilespmem:v3+s29+$0x0], $0xffff  }
0x23: {  	v5 =	vld.idx.msk [tilespmem:v5+s29+$0x0], $0xffff;
	_ =	swait.ge [sflag:s30], $0x1000  }
0x24: {  	[sflag:s30] =	ssyncset.done $0x0  }
0x25: {  	[sflag:s30] =	ssyncadd.s32 $0xFFFFF000  }
0x26: {  	_ =	swait.ge [sflag:s30], $0x1000  }
0x27: {  	[sflag:s30] =	ssyncset.done $0x0  }
0x28: {  	[sflag:s30] =	ssyncadd.s32 $0xFFFFF000  }
0x29: {  	_ =	swait.ge [sflag:s30], $0x1000  }
0x2a: {  	[sflag:s30] =	ssyncset.done $0x0  }
0x2b: {  	[sflag:s30] =	ssyncadd.s32 $0xFFFFF000  }
0x2c: {  	_ =	swait.ge [sflag:s30], $0x1000  }
0x2d: {  	[sflag:s30] =	ssyncset.done $0x0  }
0x2e: {  	s31 =	simm.s32 $0x2040;
	[sflag:s30] =	ssyncadd.s32 $0xFFFFF000  }
0x2f: {  	s4 =	simm.s32 $0x40;
	v6 =	vld [tilespmem:s31+$0x30]  }
0x30: {  	v7 =	vld [tilespmem:s4+$0x30]  }
0x31: {  	v8 =	vld [tilespmem:s31+$0xFFFFF030]  }
0x32: {  	v9 =	vld [tilespmem:s31+$0x1030]  }
0x33: {  	v10 =	vld [tilespmem:s4+$0xFFFFFFD0]  }
0x34: {  	v11 =	vld [tilespmem:s4+$0xFFFFFFE0]  }
0x35: {  	v12 =	vld [tilespmem:s4+$0xFFFFFFF0]  }
0x36: {  	v1 =	vsub.f32 v1, v4;
	v14 =	vld [tilespmem:s4+$0x0]  }
0x37: {  	v15 =	vld [tilespmem:s4+$0x10]  }
0x38: {  	v1 =	vadd.f32 $9.999999930e-09, v1;
	v16 =	vld [tilespmem:s4+$0x20]  }
0x39: {  	v17 =	vld [tilespmem:s4+$0xFFFFFFC0]  }
0x3a: {  	v2 =	vmul.f32 v1, v2;
	v3 =	vmul.f32 v3, v1;
	v13 =	vld [tilespmem:s31+$0xFFFFFFC0]  }
0x3b: {  	v18 =	vmul.f32 v1, v0;
	v5 =	vmul.f32 v5, v1;
	v19 =	vld [tilespmem:s31+$0xFFFFEFC0]  }
0x3c: {  	v0 =	vadd.f32 v2, v4;
	v1 =	vadd.f32 v3, v4;
	v20 =	vld [tilespmem:s31+$0xFFFFFFD0]  }
0x3d: {  	v2 =	vadd.f32 v18, v4;
	v3 =	vadd.f32 v5, v4;
	v4 =	vld [tilespmem:s31+$0xFFFFEFD0]  }
0x3e: {  	v5 =	vld [tilespmem:s31+$0xFFFFFFE0];
	vm0 =	vge.f32 v7, v0;
	vm1 =	vge.f32 v7, v1  }
0x3f: {  	v21 =	vld [tilespmem:s31+$0x20];
	vm2 =	vlt.f32 v7, v3;
	vm5 =	vge.f32 v10, v1;
	vm4 =	vge.f32 v11, v0  }
0x40: {  	vm9 =	vge.f32 v11, v1;
	vm6 =	vge.f32 v11, v2;
	vm7 =	vlt.f32 v11, v3;
	v11 =	vld [tilespmem:s31+$0x10]  }
0x41: {  	vm3 =	vlt.f32 v10, v3;
	v6 =	vsel vm0, v6, v8;
	vm0 =	vge.f32 v7, v2;
	v7 =	vld [tilespmem:s31+$0xFFFFEFE0]  }
0x42: {  	vm8 =	vge.f32 v12, v0;
	vm12 =	vge.f32 v12, v1;
	v8 =	vld [tilespmem:s31+$0xFFFFFFF0];
	vm10 =	vmand vm6, vm7  }
0x43: {  	vm7 =	vge.f32 v15, v0;
	v6 =	vsel vm1, v9, v6;
	vm0 =	vmand vm0, vm2;
	v9 =	vld [tilespmem:s31+$0x0]  }
0x44: {  	vm1 =	vge.f32 v10, v0;
	vm2 =	vge.f32 v10, v2;
	v10 =	vld [tilespmem:s31+$0xFFFFF000];
	v63 =	vnsel vm0, $0x0, v6  }
0x45: {  	v6 =	vld [tilespmem:s31+$0xFFFFEFF0];
	vm0 =	vge.f32 v17, v0;
	v20 =	vsel vm1, v20, v4;
	vm1 =	vlt.f32 v17, v3  }
0x46: {  	vm11 =	vmand vm2, vm3;
	vm2 =	vlt.f32 v12, v3;
	v19 =	vsel vm0, v13, v19;
	v13 =	vld [tilespmem:s31+$0xFFFFF010]  }
0x47: {  	vm0 =	vge.f32 v17, v2;
	v4 =	vsel vm4, v5, v7;
	vm4 =	vge.f32 v12, v2;
	v12 =	vld [tilespmem:s31+$0xFFFFF020]  }
0x48: {  	v22 =	vld [tilespmem:s31+$0xFC0];
	vm3 =	vge.f32 v14, v2;
	vm0 =	vmand vm0, vm1;
	vm1 =	vge.f32 v14, v0  }
0x49: {  	vm6 =	vmand vm4, vm2;
	vm2 =	vlt.f32 v14, v3;
	vm4 =	vlt.f32 v15, v3  }
0x4a: {  	v23 =	vld [tilespmem:s31+$0xFD0];
	v5 =	vsel vm8, v8, v6;
	vm3 =	vmand vm3, vm2;
	vm2 =	vge.f32 v16, v0  }
0x4b: {  	v6 =	vsel vm1, v9, v10;
	vm1 =	vge.f32 v15, v2;
	v9 =	vld [tilespmem:s31+$0x1000];
	v7 =	vsel vm7, v11, v13  }
0x4c: {  	v13 =	vld [tilespmem:s31+$0xFE0];
	vm7 =	vmand vm1, vm4;
	vm1 =	vge.f32 v17, v1;
	v8 =	vsel vm2, v21, v12  }
0x4d: {  	v11 =	vld [tilespmem:s31+$0xFF0];
	vm2 =	vge.f32 v16, v2;
	v12 =	vsel vm1, v22, v19;
	vm1 =	vlt.f32 v16, v3  }
0x4e: {  	s5 =	simm.s32 $0x4040;
	v10 =	vld [tilespmem:s31+$0x1010];
	vm8 =	vmand vm2, vm1;
	vm1 =	vge.f32 v14, v1;
	v14 =	vnsel vm0, $0x0, v12  }
0x4f: {  	s6 =	simm.s32 $0x0;
	s7 =	simm.s32 $0x20C0;
	[tilespmem:s5+$0x30] =	vst v63;
	vm0 =	vge.f32 v15, v1;
	v15 =	vsel vm5, v23, v20;
	vm5 =	vge.f32 v16, v1;
	v12 =	vld [tilespmem:s31+$0x1020]  }
.LBB2_1:
0x50: {  	v16 =	vld [tilespmem:s7+$0x30];
	s4 =	sadd.s32 $0x80, s4  }
0x51: {  	[tilespmem:s5+$0xFFFFFFC0] =	vst v14;
	v14 =	vnsel vm11, $0x0, v15;
	v4 =	vsel vm9, v13, v4;
	v13 =	vld [tilespmem:s4+$0x30]  }
0x52: {  	[tilespmem:s5+$0xFFFFFFD0] =	vst v14;
	v5 =	vsel vm12, v11, v5;
	v11 =	vld [tilespmem:s7+$0xFFFFF030];
	v4 =	vnsel vm10, $0x0, v4  }
0x53: {  	[tilespmem:s5+$0xFFFFFFE0] =	vst v4;
	v4 =	vnsel vm6, $0x0, v5;
	v5 =	vsel vm1, v9, v6;
	v6 =	vld [tilespmem:s7+$0x1030]  }
0x54: {  	[tilespmem:s5+$0xFFFFFFF0] =	vst v4;
	v4 =	vnsel vm3, $0x0, v5;
	v5 =	vsel vm0, v10, v7;
	v7 =	vld [tilespmem:s4+$0xFFFFFFD0]  }
0x55: {  	[tilespmem:s5+$0x0] =	vst v4;
	v4 =	vnsel vm7, $0x0, v5;
	v5 =	vsel vm5, v12, v8;
	v12 =	vimm.s32 $0x0  }
0x56: {  	v8 =	vld [tilespmem:s4+$0xFFFFFFE0];
	[tilespmem:s5+$0x10] =	vst v4;
	v4 =	vnsel vm8, $0x0, v5;
	vm0 =	vge.f32 v13, v0;
	vm1 =	vge.f32 v13, v1  }
0x57: {  	vm2 =	vlt.f32 v13, v3;
	v9 =	vsel vm0, v16, v11;
	vm0 =	vge.f32 v13, v2  }
0x58: {  	v6 =	vsel vm1, v6, v9;
	vm0 =	vmand vm0, vm2;
	v9 =	vimm.s32 $0x0  }
0x59: {  	v5 =	vld [tilespmem:s4+$0xFFFFFFF0];
	vm1 =	vge.f32 v7, v0;
	v6 =	vnsel vm0, $0x0, v6;
	vm0 =	vge.f32 v7, v2  }
0x5a: {  	[tilespmem:s5+$0x20] =	vst v4;
	v4 =	vld [tilespmem:s4+$0x0];
	vm11 =	vlt.f32 v7, v3;
	v9 =	vsel vm1, $0xFFFFFFFF, v9;
	vm1 =	vge.f32 v7, v1  }
0x5b: {  	v12 =	vsel vm0, $0xFFFFFFFF, v12;
	vm0 =	vge.f32 v8, v0;
	v7 =	vimm.s32 $0x0  }
0x5c: {  	vm10 =	vge.f32 v8, v2;
	vm7 =	vlt.f32 v8, v3;
	[tilespmem:$0x1FF50] =	vst v9;
	v7 =	vsel vm0, $0xFFFFFFFF, v7  }
0x5d: {  	v9 =	vimm.s32 $0x0;
	vm0 =	vge.f32 v8, v1;
	[tilespmem:$0x1FF80] =	vst v7;
	v7 =	vimm.s32 $0x0  }
0x5e: {  	v10 =	vld [tilespmem:s4+$0x10];
	v8 =	vimm.s32 $0x0;
	vm6 =	vge.f32 v5, v2;
	v7 =	vsel vm0, $0xFFFFFFFF, v7  }
0x5f: {  	vm8 =	vge.f32 v4, v1;
	vm0 =	vge.f32 v5, v0;
	[tilespmem:$0x1FF90] =	vst v7;
	v7 =	vimm.s32 $0x0  }
0x60: {  	v11 =	vld [tilespmem:s4+$0xFFFFFFC0];
	vm2 =	vge.f32 v4, v2;
	v7 =	vsel vm0, $0xFFFFFFFF, v7;
	vm0 =	vge.f32 v5, v1  }
0x61: {  	[tilespmem:$0x1FF60] =	vst v12;
	vm12 =	vlt.f32 v4, v3;
	v8 =	vsel vm0, $0xFFFFFFFF, v8;
	vm0 =	vge.f32 v4, v0;
	v4 =	vld [tilespmem:$0x1FF50]  }
0x62: {  	vm3 =	vlt.f32 v5, v3;
	v9 =	vsel vm1, $0xFFFFFFFF, v9;
	[tilespmem:$0x1FF70] =	vst v8;
	v8 =	vimm.s32 $0x0  }
0x63: {  	[tilespmem:$0x1FFF0] =	vst v9;
	v9 =	vld [tilespmem:s4+$0x20];
	v5 =	vimm.s32 $0x0;
	v8 =	vsel vm0, $0xFFFFFFFF, v8;
	vm0 =	vge.f32 v10, v0  }
0x64: {  	[tilespmem:$0x1FFB0] =	vst v8;
	v8 =	vld [tilespmem:s7+$0xFFFFFFD0];
	v5 =	vsel vm0, $0xFFFFFFFF, v5  }
0x65: {  	vm13 =	vge.f32 v11, v2;
	vm14 =	vlt.f32 v11, v3;
	[tilespmem:$0x1FFC0] =	vst v5;
	v5 =	vld [tilespmem:s7+$0xFFFFEFD0]  }
0x66: {  	vm13 =	vmand vm13, vm14;
	vm14 =	vnez.u8 v4;
	v4 =	vld [tilespmem:$0x1FF60]  }
0x67: {  	s5 =	sadd.s32 $0x80, s5  }
0x68: {  	[tilespmem:s5+$0x30] =	vst v6;
	v6 =	vld [tilespmem:s7+$0xFFFFFFC0]  }
0x69: {  	[tilespmem:$0x1FFA0] =	vst v7;
	v7 =	vld [tilespmem:s7+$0xFFFFEFC0]  }
0x6a: {  	v12 =	vimm.s32 $0x0  }
0x6b: {  	vm0 =	vge.f32 v9, v0;
	v15 =	vsel vm14, v8, v5;
	vm14 =	vnez.u8 v4;
	v4 =	vld [tilespmem:$0x1FF70]  }
0x6c: {  	vm10 =	vmand vm10, vm7;
	vm1 =	vge.f32 v11, v0;
	v12 =	vsel vm0, $0xFFFFFFFF, v12;
	v5 =	vld [tilespmem:$0x1FF90]  }
0x6d: {  	vm15 =	vge.f32 v10, v2;
	vm0 =	vge.f32 v11, v1;
	v11 =	vld [tilespmem:s7+$0xFFFFEFE0];
	[tilespmem:$0x1FFD0] =	vst v12;
	v12 =	vimm.s32 $0x0  }
0x6e: {  	vm6 =	vmand vm6, vm3;
	v14 =	vsel vm1, v6, v7;
	v6 =	vld [tilespmem:s7+$0xFFFFFFF0];
	v12 =	vsel vm0, $0xFFFFFFFF, v12  }
0x6f: {  	vm3 =	vmand vm2, vm12;
	vm4 =	vge.f32 v9, v2;
	vm1 =	vlt.f32 v10, v3;
	[tilespmem:$0x1FFE0] =	vst v12;
	v12 =	vld [tilespmem:s7+$0xFFFFFFE0]  }
0x70: {  	vm9 =	vlt.f32 v9, v3;
	vm7 =	vmand vm15, vm1;
	vm12 =	vnez.u8 v4;
	v4 =	vld [tilespmem:$0x1FF80]  }
0x71: {  	vm1 =	vmmov vm8;
	vm8 =	vmand vm4, vm9;
	vm9 =	vnez.u8 v5;
	v5 =	vld [tilespmem:$0x1FFA0]  }
0x72: {  	v7 =	vld [tilespmem:s7+$0xFFFFEFF0];
	_ =	sdelay $0x1  }
0x73: {  	vm5 =	vge.f32 v9, v1;
	v9 =	vld [tilespmem:s7+$0xFFFFF000]  }
0x74: {  	vm0 =	vge.f32 v10, v1;
	v10 =	vld [tilespmem:s7+$0x10];
	vm2 =	vnez.u8 v4  }
0x75: {  	v8 =	vld [tilespmem:s7+$0x0];
	v4 =	vsel vm2, v12, v11;
	vm2 =	vnez.u8 v5  }
0x76: {  	v5 =	vsel vm2, v6, v7;
	v6 =	vld [tilespmem:$0x1FFB0]  }
0x77: {  	v7 =	vld [tilespmem:$0x1FFC0]  }
0x78: {  	v11 =	vld [tilespmem:s7+$0xFFFFF010];
	_ =	sdelay $0x1  }
0x79: {  	v16 =	vld [tilespmem:s7+$0xFFFFF020]  }
0x7a: {  	v12 =	vld [tilespmem:s7+$0x20];
	vm2 =	vnez.u8 v6  }
0x7b: {  	v6 =	vsel vm2, v8, v9;
	vm2 =	vnez.u8 v7;
	v8 =	vld [tilespmem:$0x1FFD0]  }
0x7c: {  	v7 =	vsel vm2, v10, v11;
	v10 =	vld [tilespmem:$0x1FFE0]  }
0x7d: {  	v17 =	vld [tilespmem:s7+$0xFC0];
	_ =	sdelay $0x2  }
0x7e: {  	vm2 =	vnez.u8 v8  }
0x7f: {  	v8 =	vsel vm2, v12, v16;
	vm2 =	vnez.u8 v10  }
0x80: {  	v12 =	vsel vm2, v17, v14  }
0x81: {  	s6 =	sadd.s32 $0x80, s6;
	v14 =	vnsel vm13, $0x0, v12;
	v12 =	vld [tilespmem:$0x1FFF0]  }
0x82: {  	p0 =	slt.u32 s6, $0xF80;
	v18 =	vld [tilespmem:s7+$0xFD0]  }
.Ltmp0:
0x83: {  	v13 =	vld [tilespmem:s7+$0xFE0];
	(pc) =	sbr.rel @p0 .LBB2_1-.Ltmp0, $4  }
0x84: {  	v9 =	vld [tilespmem:s7+$0x1000]  }
0x85: {  	v11 =	vld [tilespmem:s7+$0xFF0]  }
0x86: {  	v10 =	vld [tilespmem:s7+$0x1010];
	vm2 =	vnez.u8 v12  }
0x87: {  	vm11 =	vmand vm14, vm11;
	v12 =	vld [tilespmem:s7+$0x1020];
	s7 =	sadd.s32 $0x80, s7;
	v15 =	vsel vm2, v18, v15  }
0x88: {  	[tilespmem:s5+$0xFFFFFFC0] =	vst v14;
	v0 =	vnsel vm11, $0x0, v15;
	v1 =	vsel vm9, v13, v4  }
0x89: {  	[tilespmem:s5+$0xFFFFFFD0] =	vst v0;
	v55 =	vnsel vm10, $0x0, v1;
	v58 =	vsel vm1, v9, v6  }
0x8a: {  	v56 =	vsel vm12, v11, v5;
	[tilespmem:s5+$0xFFFFFFE0] =	vst v55;
	v59 =	vnsel vm3, $0x0, v58  }
0x8b: {  	v57 =	vnsel vm6, $0x0, v56;
	v60 =	vsel vm0, v10, v7;
	[tilespmem:s5+$0x0] =	vst v59  }
0x8c: {  	[tilespmem:s5+$0xFFFFFFF0] =	vst v57;
	v61 =	vnsel vm7, $0x0, v60;
	v62 =	vsel vm5, v12, v8  }
0x8d: {  	s2 =	sadd.s32 s2, s3;
	[tilespmem:s5+$0x10] =	vst v61;
	v63 =	vnsel vm8, $0x0, v62  }
0x8e: {  	s30 =	simm.s32 $0x0;
	s4 =	simm.s32 $0x4000;
	s31 =	simm.s32 $0x3;
	[tilespmem:s5+$0x20] =	vst v63  }
0x8f: {  	[hbm4b:s2+s30] =	stream.linear.scatter [tilespmem:s4], [sflag:$0x3], $0x1000, $0x38;
	[tilespmem:$0x5020] =	vst v63  }
0x90: {  	_ =	swait.ge [sflag:s31], $0x1000  }
0x91: {  	[sflag:s31] =	ssyncset.done $0x0  }
0x92: {  	[sflag:s31] =	ssyncadd.s32 $0xFFFFF000  }
0x93: {  	_ =	sfence.sel $0x180000  }
0x94: {  	[bflag:$0x0] =	sbarrier.arrive $0xFFFF  }
0x95: {  	p0 =	sne.s32 s1, $0x0;
	_ =	strace $0x90000047  }
0x96: {  	s0 =	sadd.s32 @!p0 $0x100000, s0;
	[bflag:$0x2] =	sbarrier.arrive $0xFFFF  }
0x97: {  	[sflag:s0] =	ssyncadd.tile.s32 @!p0 $0x1;
	_ =	shalt  }
.Lfunc_end2:
_tile_overlayer_lowered:
.L_overlay_start_2:
0x98: {  	(tag) =	ssettag $0x2  }
0x99: {  	s0 =	rddreg [dreg:$0x0];
	s2 =	stileid.u32  }
0x9a: {  	s1 =	rddreg [dreg:$0x1];
	p0 =	sne.s32 s2, $0x0  }
0x9b: {  	s3 =	rddreg [dreg:$0x2];
	[bflag:$0x3] =	sbarrier.arrive $0xFFFF;
	s2 =	simm.s32 @!p0 $0x1C03  }
0x9c: {  	[timem:s3], [sflag:s2] =	dma.local @!p0 [hbm:s0], s1  }
0x9d: {  	s0 =	simm.s32 @!p0 $0x3  }
0x9e: {  	_ =	swait.ge @!p0 [sflag:s0], s1  }
0x9f: {  	s1 =	ssub.s32 @!p0 $0x0, s1;
	[sflag:s0] =	ssyncset.done @!p0 $0x0  }
0xa0: {  	[sflag:s0] =	ssyncadd.s32 @!p0 s1  }
0xa1: {  	[bflag:$0x3] =	sbarrier.arrive $0xFFFF  }
0xa2: {  	_ =	shalt  }

</sc_bundles>
